<compile_context>
chip_gen: v7x
topology: tpu7x:2x2x1
jax: 0.10.2.dev20260603
libtpu: 0.0.44.dev20260713+nightly
codegen_flags: <defaults>
</compile_context>

<pallas_src>
import functools

import jax
import jax.numpy as jnp
from jax import lax
from jax.experimental import pallas as pl
from jax.experimental.pallas import tpu as pltpu
from jax.experimental.pallas import tpu_sc as plsc

_ROWS = 8192
_COLS = 512
_BLK = 1024


def _sel_matrix(src_of_lane):
    import numpy as np

    e = np.zeros((128, 128), dtype=np.float32)
    for l in range(128):
        e[src_of_lane(l), l] = 1.0
    return jnp.asarray(e)


def _dot(w, e):
    return lax.dot_general(
        w, e, (((1,), (0,)), ((), ())), preferred_element_type=jnp.float32
    )


def _tc_body(x_ref, y_ref, ex0_ref, ex1_ref, ey0_ref, ey1_ref, ey2_ref,
             xo_ref, yo_ref):
    xb = x_ref[...]
    yb = y_ref[...]
    exs = (ex0_ref[...], ex1_ref[...])
    eys = (ey0_ref[...], ey1_ref[...], ey2_ref[...])
    rs = []
    for s in range(8):
        wx = xb[:, 128 * (s // 2):128 * (s // 2 + 1)]
        rs.append(_dot(wx, exs[s % 2]))
    val = jax.lax.transpose(jnp.stack(rs, axis=0), (1, 0, 2)).reshape(8 * _BLK, 128)
    xo_ref[...] = val
    for q in range(_COLS // 128):
        wy = yb[:, 128 * q:128 * (q + 1)]
        for p in range(3):
            yo_ref[:, 384 * q + 128 * p:384 * q + 128 * (p + 1)] = _dot(wy, eys[p])


@functools.cache
def _z_gather_kernel():
    mesh = plsc.ScalarSubcoreMesh(axis_name="c", num_cores=1)

    @functools.partial(
        pl.kernel,
        mesh=mesh,
        out_type=jax.ShapeDtypeStruct((6, _COLS), jnp.float32),
    )
    def _z_gather(z_hbm, out_hbm):
        c = lax.axis_index("c")

        @pl.when(c == 0)
        def _():
            for dst, src in enumerate((0, 0, 1, 2, 2, 2)):
                pltpu.sync_copy(
                    z_hbm.at[pl.ds(src, 1)], out_hbm.at[pl.ds(dst, 1)]
                )

    return _z_gather


def kernel(x, y, z):
    zo = _z_gather_kernel()(z)
    ex0 = _sel_matrix(lambda l: l // 2)
    ex1 = _sel_matrix(lambda l: 64 + l // 2)
    ey0 = _sel_matrix(lambda l: l // 3)
    ey1 = _sel_matrix(lambda l: (128 + l) // 3)
    ey2 = _sel_matrix(lambda l: (256 + l) // 3)

    const_spec = pl.BlockSpec((128, 128), lambda i: (0, 0))
    xo, yo = pl.pallas_call(
        _tc_body,
        grid=(_ROWS // _BLK,),
        in_specs=[
            pl.BlockSpec((_BLK, _COLS), lambda i: (i, 0)),
            pl.BlockSpec((_BLK, _COLS), lambda i: (i, 0)),
            const_spec, const_spec, const_spec, const_spec, const_spec,
        ],
        out_specs=[
            pl.BlockSpec((8 * _BLK, 128), lambda i: (i, 0)),
            pl.BlockSpec((_BLK, 3 * _COLS), lambda i: (i, 0)),
        ],
        out_shape=[
            jax.ShapeDtypeStruct((8 * _ROWS, 128), jnp.float32),
            jax.ShapeDtypeStruct((_ROWS, 3 * _COLS), jnp.float32),
        ],
    )(x, y, ex0, ex1, ey0, ey1, ey2)
    return (xo.reshape(-1), yo, zo)

# --- scband reference (transcript-rebuilt; emitter-appended) ---
"""Pipeline reference for scband-model-10299331575972 (READ-ONLY COPY).

The authoritative reference and input builder live on the scoring server;
editing this copy changes nothing except your own understanding.
"""

import jax, jax.numpy as jnp
import numpy as np


def setup_inputs(seed: int = 0) -> dict:
    key = jax.random.key(seed)
    k1, k2, k3 = jax.random.split(key, 3)
    x = jax.random.normal(k1, (8192, 512), dtype=jnp.float32)
    y = jax.random.normal(k2, (8192, 512), dtype=jnp.float32)
    z = jax.random.normal(k3, (3, 512), dtype=jnp.float32)
    return {"x": x, "y": y, "z": z}


def reference(x, y, z):
    # torch.repeat_interleave(x, 2) with no dim flattens first, then repeats each element
    x_out = jnp.repeat(x.reshape(-1), 2)
    # torch.repeat_interleave(y, 3, dim=1)
    y_out = jnp.repeat(y, 3, axis=1)
    # torch.repeat_interleave(z, tensor([2,1,3]), dim=0, output_size=6)
    z_out = jnp.repeat(z, jnp.array([2, 1, 3]), axis=0, total_repeat_length=6)
    return (x_out, y_out, z_out)

if __name__ == "__main__":
    import jax
    _d = setup_inputs()
    print(jax.jit(kernel)(*tuple(_d.values())))

</pallas_src>

<mosaic_0001>
#map = affine_map<(d0) -> (0, 0)>
module attributes {stable_mosaic.version = 14 : i64} {
  func.func @_z_gather(%arg0: i32, %arg1: memref<3x512xf32, #tpu.memory_space<hbm>>, %arg2: memref<6x512xf32, #tpu.memory_space<hbm>>) attributes {dimension_semantics = [#tpu.dimension_semantics<core_parallel>], iteration_bounds = array<i64: 1>, scalar_prefetch = 0 : i64, scratch_operands = 0 : i64, tpu.core_type = #tpu.core_type<sc_scalar_subcore>, window_params = [{transform_indices = #map}, {transform_indices = #map}]} {
    %eq3A = arith.constant 0 : i32
    %eq3A_0 = arith.cmpi eq, %arg0, %eq3A : i32
    %convert_element_type3A = arith.extui %eq3A_0 : i1 to i32
    %cond3A = arith.constant 0 : i32
    %cond3A_1 = arith.cmpi ne, %convert_element_type3A, %cond3A : i32
    scf.if %cond3A_1 {
      "tpu.region"() ({
        %run_scoped3A = tpu.sem_alloc : memref<!tpu.dma_semaphore, #tpu.memory_space<semaphore_mem>>
        %dma_start3A = arith.constant 0 : i32
        %dma_start3A_2 = arith.constant 0 : i32
        %dma_start3A_3 = tpu.memref_slice %arg2[%dma_start3A, %dma_start3A_2] : memref<6x512xf32, #tpu.memory_space<hbm>> -> memref<1x512xf32, #tpu.memory_space<hbm>>
        %dma_start3A_4 = arith.constant 0 : i32
        %dma_start3A_5 = arith.constant 0 : i32
        %dma_start3A_6 = tpu.memref_slice %arg1[%dma_start3A_4, %dma_start3A_5] : memref<3x512xf32, #tpu.memory_space<hbm>> -> memref<1x512xf32, #tpu.memory_space<hbm>>
        tpu.enqueue_dma source(%dma_start3A_6 : memref<1x512xf32, #tpu.memory_space<hbm>>) target(%dma_start3A_3 : memref<1x512xf32, #tpu.memory_space<hbm>>) target_semaphore(%run_scoped3A : memref<!tpu.dma_semaphore, #tpu.memory_space<semaphore_mem>>)
        %dma_wait3A = arith.constant 0 : i32
        %dma_wait3A_7 = arith.constant 0 : i32
        %dma_wait3A_8 = tpu.memref_slice %arg2[%dma_wait3A, %dma_wait3A_7] : memref<6x512xf32, #tpu.memory_space<hbm>> -> memref<1x512xf32, #tpu.memory_space<hbm>>
        %dma_wait3A_9 = arith.constant 0 : i32
        %dma_wait3A_10 = arith.constant 0 : i32
        %dma_wait3A_11 = tpu.memref_slice %arg1[%dma_wait3A_9, %dma_wait3A_10] : memref<3x512xf32, #tpu.memory_space<hbm>> -> memref<1x512xf32, #tpu.memory_space<hbm>>
        tpu.wait_dma2 semaphore(%run_scoped3A : memref<!tpu.dma_semaphore, #tpu.memory_space<semaphore_mem>>) src(%dma_wait3A_11 : memref<1x512xf32, #tpu.memory_space<hbm>>) dst(%dma_wait3A_8 : memref<1x512xf32, #tpu.memory_space<hbm>>)
        tpu.yield
      }) : () -> ()
      "tpu.region"() ({
        %run_scoped3A = tpu.sem_alloc : memref<!tpu.dma_semaphore, #tpu.memory_space<semaphore_mem>>
        %dma_start3A = arith.constant 1 : i32
        %dma_start3A_2 = arith.constant 0 : i32
        %dma_start3A_3 = tpu.memref_slice %arg2[%dma_start3A, %dma_start3A_2] : memref<6x512xf32, #tpu.memory_space<hbm>> -> memref<1x512xf32, #tpu.memory_space<hbm>>
        %dma_start3A_4 = arith.constant 0 : i32
        %dma_start3A_5 = arith.constant 0 : i32
        %dma_start3A_6 = tpu.memref_slice %arg1[%dma_start3A_4, %dma_start3A_5] : memref<3x512xf32, #tpu.memory_space<hbm>> -> memref<1x512xf32, #tpu.memory_space<hbm>>
        tpu.enqueue_dma source(%dma_start3A_6 : memref<1x512xf32, #tpu.memory_space<hbm>>) target(%dma_start3A_3 : memref<1x512xf32, #tpu.memory_space<hbm>>) target_semaphore(%run_scoped3A : memref<!tpu.dma_semaphore, #tpu.memory_space<semaphore_mem>>)
        %dma_wait3A = arith.constant 1 : i32
        %dma_wait3A_7 = arith.constant 0 : i32
        %dma_wait3A_8 = tpu.memref_slice %arg2[%dma_wait3A, %dma_wait3A_7] : memref<6x512xf32, #tpu.memory_space<hbm>> -> memref<1x512xf32, #tpu.memory_space<hbm>>
        %dma_wait3A_9 = arith.constant 0 : i32
        %dma_wait3A_10 = arith.constant 0 : i32
        %dma_wait3A_11 = tpu.memref_slice %arg1[%dma_wait3A_9, %dma_wait3A_10] : memref<3x512xf32, #tpu.memory_space<hbm>> -> memref<1x512xf32, #tpu.memory_space<hbm>>
        tpu.wait_dma2 semaphore(%run_scoped3A : memref<!tpu.dma_semaphore, #tpu.memory_space<semaphore_mem>>) src(%dma_wait3A_11 : memref<1x512xf32, #tpu.memory_space<hbm>>) dst(%dma_wait3A_8 : memref<1x512xf32, #tpu.memory_space<hbm>>)
        tpu.yield
      }) : () -> ()
      "tpu.region"() ({
        %run_scoped3A = tpu.sem_alloc : memref<!tpu.dma_semaphore, #tpu.memory_space<semaphore_mem>>
        %dma_start3A = arith.constant 2 : i32
        %dma_start3A_2 = arith.constant 0 : i32
        %dma_start3A_3 = tpu.memref_slice %arg2[%dma_start3A, %dma_start3A_2] : memref<6x512xf32, #tpu.memory_space<hbm>> -> memref<1x512xf32, #tpu.memory_space<hbm>>
        %dma_start3A_4 = arith.constant 1 : i32
        %dma_start3A_5 = arith.constant 0 : i32
        %dma_start3A_6 = tpu.memref_slice %arg1[%dma_start3A_4, %dma_start3A_5] : memref<3x512xf32, #tpu.memory_space<hbm>> -> memref<1x512xf32, #tpu.memory_space<hbm>>
        tpu.enqueue_dma source(%dma_start3A_6 : memref<1x512xf32, #tpu.memory_space<hbm>>) target(%dma_start3A_3 : memref<1x512xf32, #tpu.memory_space<hbm>>) target_semaphore(%run_scoped3A : memref<!tpu.dma_semaphore, #tpu.memory_space<semaphore_mem>>)
        %dma_wait3A = arith.constant 2 : i32
        %dma_wait3A_7 = arith.constant 0 : i32
        %dma_wait3A_8 = tpu.memref_slice %arg2[%dma_wait3A, %dma_wait3A_7] : memref<6x512xf32, #tpu.memory_space<hbm>> -> memref<1x512xf32, #tpu.memory_space<hbm>>
        %dma_wait3A_9 = arith.constant 1 : i32
        %dma_wait3A_10 = arith.constant 0 : i32
        %dma_wait3A_11 = tpu.memref_slice %arg1[%dma_wait3A_9, %dma_wait3A_10] : memref<3x512xf32, #tpu.memory_space<hbm>> -> memref<1x512xf32, #tpu.memory_space<hbm>>
        tpu.wait_dma2 semaphore(%run_scoped3A : memref<!tpu.dma_semaphore, #tpu.memory_space<semaphore_mem>>) src(%dma_wait3A_11 : memref<1x512xf32, #tpu.memory_space<hbm>>) dst(%dma_wait3A_8 : memref<1x512xf32, #tpu.memory_space<hbm>>)
        tpu.yield
      }) : () -> ()
      "tpu.region"() ({
        %run_scoped3A = tpu.sem_alloc : memref<!tpu.dma_semaphore, #tpu.memory_space<semaphore_mem>>
        %dma_start3A = arith.constant 3 : i32
        %dma_start3A_2 = arith.constant 0 : i32
        %dma_start3A_3 = tpu.memref_slice %arg2[%dma_start3A, %dma_start3A_2] : memref<6x512xf32, #tpu.memory_space<hbm>> -> memref<1x512xf32, #tpu.memory_space<hbm>>
        %dma_start3A_4 = arith.constant 2 : i32
        %dma_start3A_5 = arith.constant 0 : i32
        %dma_start3A_6 = tpu.memref_slice %arg1[%dma_start3A_4, %dma_start3A_5] : memref<3x512xf32, #tpu.memory_space<hbm>> -> memref<1x512xf32, #tpu.memory_space<hbm>>
        tpu.enqueue_dma source(%dma_start3A_6 : memref<1x512xf32, #tpu.memory_space<hbm>>) target(%dma_start3A_3 : memref<1x512xf32, #tpu.memory_space<hbm>>) target_semaphore(%run_scoped3A : memref<!tpu.dma_semaphore, #tpu.memory_space<semaphore_mem>>)
        %dma_wait3A = arith.constant 3 : i32
        %dma_wait3A_7 = arith.constant 0 : i32
        %dma_wait3A_8 = tpu.memref_slice %arg2[%dma_wait3A, %dma_wait3A_7] : memref<6x512xf32, #tpu.memory_space<hbm>> -> memref<1x512xf32, #tpu.memory_space<hbm>>
        %dma_wait3A_9 = arith.constant 2 : i32
        %dma_wait3A_10 = arith.constant 0 : i32
        %dma_wait3A_11 = tpu.memref_slice %arg1[%dma_wait3A_9, %dma_wait3A_10] : memref<3x512xf32, #tpu.memory_space<hbm>> -> memref<1x512xf32, #tpu.memory_space<hbm>>
        tpu.wait_dma2 semaphore(%run_scoped3A : memref<!tpu.dma_semaphore, #tpu.memory_space<semaphore_mem>>) src(%dma_wait3A_11 : memref<1x512xf32, #tpu.memory_space<hbm>>) dst(%dma_wait3A_8 : memref<1x512xf32, #tpu.memory_space<hbm>>)
        tpu.yield
      }) : () -> ()
      "tpu.region"() ({
        %run_scoped3A = tpu.sem_alloc : memref<!tpu.dma_semaphore, #tpu.memory_space<semaphore_mem>>
        %dma_start3A = arith.constant 4 : i32
        %dma_start3A_2 = arith.constant 0 : i32
        %dma_start3A_3 = tpu.memref_slice %arg2[%dma_start3A, %dma_start3A_2] : memref<6x512xf32, #tpu.memory_space<hbm>> -> memref<1x512xf32, #tpu.memory_space<hbm>>
        %dma_start3A_4 = arith.constant 2 : i32
        %dma_start3A_5 = arith.constant 0 : i32
        %dma_start3A_6 = tpu.memref_slice %arg1[%dma_start3A_4, %dma_start3A_5] : memref<3x512xf32, #tpu.memory_space<hbm>> -> memref<1x512xf32, #tpu.memory_space<hbm>>
        tpu.enqueue_dma source(%dma_start3A_6 : memref<1x512xf32, #tpu.memory_space<hbm>>) target(%dma_start3A_3 : memref<1x512xf32, #tpu.memory_space<hbm>>) target_semaphore(%run_scoped3A : memref<!tpu.dma_semaphore, #tpu.memory_space<semaphore_mem>>)
        %dma_wait3A = arith.constant 4 : i32
        %dma_wait3A_7 = arith.constant 0 : i32
        %dma_wait3A_8 = tpu.memref_slice %arg2[%dma_wait3A, %dma_wait3A_7] : memref<6x512xf32, #tpu.memory_space<hbm>> -> memref<1x512xf32, #tpu.memory_space<hbm>>
        %dma_wait3A_9 = arith.constant 2 : i32
        %dma_wait3A_10 = arith.constant 0 : i32
        %dma_wait3A_11 = tpu.memref_slice %arg1[%dma_wait3A_9, %dma_wait3A_10] : memref<3x512xf32, #tpu.memory_space<hbm>> -> memref<1x512xf32, #tpu.memory_space<hbm>>
        tpu.wait_dma2 semaphore(%run_scoped3A : memref<!tpu.dma_semaphore, #tpu.memory_space<semaphore_mem>>) src(%dma_wait3A_11 : memref<1x512xf32, #tpu.memory_space<hbm>>) dst(%dma_wait3A_8 : memref<1x512xf32, #tpu.memory_space<hbm>>)
        tpu.yield
      }) : () -> ()
      "tpu.region"() ({
        %run_scoped3A = tpu.sem_alloc : memref<!tpu.dma_semaphore, #tpu.memory_space<semaphore_mem>>
        %dma_start3A = arith.constant 5 : i32
        %dma_start3A_2 = arith.constant 0 : i32
        %dma_start3A_3 = tpu.memref_slice %arg2[%dma_start3A, %dma_start3A_2] : memref<6x512xf32, #tpu.memory_space<hbm>> -> memref<1x512xf32, #tpu.memory_space<hbm>>
        %dma_start3A_4 = arith.constant 2 : i32
        %dma_start3A_5 = arith.constant 0 : i32
        %dma_start3A_6 = tpu.memref_slice %arg1[%dma_start3A_4, %dma_start3A_5] : memref<3x512xf32, #tpu.memory_space<hbm>> -> memref<1x512xf32, #tpu.memory_space<hbm>>
        tpu.enqueue_dma source(%dma_start3A_6 : memref<1x512xf32, #tpu.memory_space<hbm>>) target(%dma_start3A_3 : memref<1x512xf32, #tpu.memory_space<hbm>>) target_semaphore(%run_scoped3A : memref<!tpu.dma_semaphore, #tpu.memory_space<semaphore_mem>>)
        %dma_wait3A = arith.constant 5 : i32
        %dma_wait3A_7 = arith.constant 0 : i32
        %dma_wait3A_8 = tpu.memref_slice %arg2[%dma_wait3A, %dma_wait3A_7] : memref<6x512xf32, #tpu.memory_space<hbm>> -> memref<1x512xf32, #tpu.memory_space<hbm>>
        %dma_wait3A_9 = arith.constant 2 : i32
        %dma_wait3A_10 = arith.constant 0 : i32
        %dma_wait3A_11 = tpu.memref_slice %arg1[%dma_wait3A_9, %dma_wait3A_10] : memref<3x512xf32, #tpu.memory_space<hbm>> -> memref<1x512xf32, #tpu.memory_space<hbm>>
        tpu.wait_dma2 semaphore(%run_scoped3A : memref<!tpu.dma_semaphore, #tpu.memory_space<semaphore_mem>>) src(%dma_wait3A_11 : memref<1x512xf32, #tpu.memory_space<hbm>>) dst(%dma_wait3A_8 : memref<1x512xf32, #tpu.memory_space<hbm>>)
        tpu.yield
      }) : () -> ()
    } else {
    }
    return
  }
}

module attributes {stable_mosaic.version = 14 : i64} {
  func.func @_tc_body(%arg0: i32, %arg1: memref<1024x512xf32, #tpu.memory_space<vmem>>, %arg2: memref<1024x512xf32, #tpu.memory_space<vmem>>, %arg3: memref<128x128xf32, #tpu.memory_space<vmem>>, %arg4: memref<128x128xf32, #tpu.memory_space<vmem>>, %arg5: memref<128x128xf32, #tpu.memory_space<vmem>>, %arg6: memref<128x128xf32, #tpu.memory_space<vmem>>, %arg7: memref<128x128xf32, #tpu.memory_space<vmem>>, %arg8: memref<8192x128xf32, #tpu.memory_space<vmem>>, %arg9: memref<1024x1536xf32, #tpu.memory_space<vmem>>) attributes {dimension_semantics = [#tpu.dimension_semantics<arbitrary>], iteration_bounds = array<i64: 8>, scalar_prefetch = 0 : i64, scratch_operands = 0 : i64, tpu.core_type = #tpu.core_type<tc>, window_params = [{transform_indices = @transform_0, window_bounds = array<i64: 1024, 512>}, {transform_indices = @transform_1, window_bounds = array<i64: 1024, 512>}, {pipeline_mode = #tpu.pipeline_mode<synchronous>, transform_indices = @transform_2, window_bounds = array<i64: 128, 128>}, {pipeline_mode = #tpu.pipeline_mode<synchronous>, transform_indices = @transform_3, window_bounds = array<i64: 128, 128>}, {pipeline_mode = #tpu.pipeline_mode<synchronous>, transform_indices = @transform_4, window_bounds = array<i64: 128, 128>}, {pipeline_mode = #tpu.pipeline_mode<synchronous>, transform_indices = @transform_5, window_bounds = array<i64: 128, 128>}, {pipeline_mode = #tpu.pipeline_mode<synchronous>, transform_indices = @transform_6, window_bounds = array<i64: 128, 128>}, {transform_indices = @transform_7, window_bounds = array<i64: 8192, 128>}, {transform_indices = @transform_8, window_bounds = array<i64: 1024, 1536>}]} {
    %get3A = arith.constant 0 : index
    %get3A_0 = arith.constant 0 : index
    %get3A_1 = vector.load %arg1[%get3A, %get3A_0] : memref<1024x512xf32, #tpu.memory_space<vmem>>, vector<1024x512xf32>
    %get3A_2 = arith.constant 0 : index
    %get3A_3 = arith.constant 0 : index
    %get3A_4 = vector.load %arg2[%get3A_2, %get3A_3] : memref<1024x512xf32, #tpu.memory_space<vmem>>, vector<1024x512xf32>
    %get3A_5 = arith.constant 0 : index
    %get3A_6 = arith.constant 0 : index
    %get3A_7 = vector.load %arg3[%get3A_5, %get3A_6] : memref<128x128xf32, #tpu.memory_space<vmem>>, vector<128x128xf32>
    %get3A_8 = arith.constant 0 : index
    %get3A_9 = arith.constant 0 : index
    %get3A_10 = vector.load %arg4[%get3A_8, %get3A_9] : memref<128x128xf32, #tpu.memory_space<vmem>>, vector<128x128xf32>
    %get3A_11 = arith.constant 0 : index
    %get3A_12 = arith.constant 0 : index
    %get3A_13 = vector.load %arg5[%get3A_11, %get3A_12] : memref<128x128xf32, #tpu.memory_space<vmem>>, vector<128x128xf32>
    %get3A_14 = arith.constant 0 : index
    %get3A_15 = arith.constant 0 : index
    %get3A_16 = vector.load %arg6[%get3A_14, %get3A_15] : memref<128x128xf32, #tpu.memory_space<vmem>>, vector<128x128xf32>
    %get3A_17 = arith.constant 0 : index
    %get3A_18 = arith.constant 0 : index
    %get3A_19 = vector.load %arg7[%get3A_17, %get3A_18] : memref<128x128xf32, #tpu.memory_space<vmem>>, vector<128x128xf32>
    %slice3A = vector.extract_strided_slice %get3A_1 {offsets = [0, 0], sizes = [1024, 128], strides = [1, 1]} : vector<1024x512xf32> to vector<1024x128xf32>
    %dot_general3A = arith.constant dense<0.000000e+00> : vector<1024x128xf32>
    %dot_general3A_20 = tpu.matmul %slice3A, %get3A_7, %dot_general3A {dimension_numbers = #tpu.dot_dimension_numbers<[1], [0], [0], [1], [0, 0, 1, 1], [], []>, transpose_lhs_hint = false} : vector<1024x128xf32>, vector<128x128xf32>, vector<1024x128xf32> -> vector<1024x128xf32>
    %slice3A_21 = vector.extract_strided_slice %get3A_1 {offsets = [0, 0], sizes = [1024, 128], strides = [1, 1]} : vector<1024x512xf32> to vector<1024x128xf32>
    %dot_general3A_22 = arith.constant dense<0.000000e+00> : vector<1024x128xf32>
    %dot_general3A_23 = tpu.matmul %slice3A_21, %get3A_10, %dot_general3A_22 {dimension_numbers = #tpu.dot_dimension_numbers<[1], [0], [0], [1], [0, 0, 1, 1], [], []>, transpose_lhs_hint = false} : vector<1024x128xf32>, vector<128x128xf32>, vector<1024x128xf32> -> vector<1024x128xf32>
    %slice3A_24 = vector.extract_strided_slice %get3A_1 {offsets = [0, 128], sizes = [1024, 128], strides = [1, 1]} : vector<1024x512xf32> to vector<1024x128xf32>
    %dot_general3A_25 = arith.constant dense<0.000000e+00> : vector<1024x128xf32>
    %dot_general3A_26 = tpu.matmul %slice3A_24, %get3A_7, %dot_general3A_25 {dimension_numbers = #tpu.dot_dimension_numbers<[1], [0], [0], [1], [0, 0, 1, 1], [], []>, transpose_lhs_hint = false} : vector<1024x128xf32>, vector<128x128xf32>, vector<1024x128xf32> -> vector<1024x128xf32>
    %slice3A_27 = vector.extract_strided_slice %get3A_1 {offsets = [0, 128], sizes = [1024, 128], strides = [1, 1]} : vector<1024x512xf32> to vector<1024x128xf32>
    %dot_general3A_28 = arith.constant dense<0.000000e+00> : vector<1024x128xf32>
    %dot_general3A_29 = tpu.matmul %slice3A_27, %get3A_10, %dot_general3A_28 {dimension_numbers = #tpu.dot_dimension_numbers<[1], [0], [0], [1], [0, 0, 1, 1], [], []>, transpose_lhs_hint = false} : vector<1024x128xf32>, vector<128x128xf32>, vector<1024x128xf32> -> vector<1024x128xf32>
    %slice3A_30 = vector.extract_strided_slice %get3A_1 {offsets = [0, 256], sizes = [1024, 128], strides = [1, 1]} : vector<1024x512xf32> to vector<1024x128xf32>
    %dot_general3A_31 = arith.constant dense<0.000000e+00> : vector<1024x128xf32>
    %dot_general3A_32 = tpu.matmul %slice3A_30, %get3A_7, %dot_general3A_31 {dimension_numbers = #tpu.dot_dimension_numbers<[1], [0], [0], [1], [0, 0, 1, 1], [], []>, transpose_lhs_hint = false} : vector<1024x128xf32>, vector<128x128xf32>, vector<1024x128xf32> -> vector<1024x128xf32>
    %slice3A_33 = vector.extract_strided_slice %get3A_1 {offsets = [0, 256], sizes = [1024, 128], strides = [1, 1]} : vector<1024x512xf32> to vector<1024x128xf32>
    %dot_general3A_34 = arith.constant dense<0.000000e+00> : vector<1024x128xf32>
    %dot_general3A_35 = tpu.matmul %slice3A_33, %get3A_10, %dot_general3A_34 {dimension_numbers = #tpu.dot_dimension_numbers<[1], [0], [0], [1], [0, 0, 1, 1], [], []>, transpose_lhs_hint = false} : vector<1024x128xf32>, vector<128x128xf32>, vector<1024x128xf32> -> vector<1024x128xf32>
    %slice3A_36 = vector.extract_strided_slice %get3A_1 {offsets = [0, 384], sizes = [1024, 128], strides = [1, 1]} : vector<1024x512xf32> to vector<1024x128xf32>
    %dot_general3A_37 = arith.constant dense<0.000000e+00> : vector<1024x128xf32>
    %dot_general3A_38 = tpu.matmul %slice3A_36, %get3A_7, %dot_general3A_37 {dimension_numbers = #tpu.dot_dimension_numbers<[1], [0], [0], [1], [0, 0, 1, 1], [], []>, transpose_lhs_hint = false} : vector<1024x128xf32>, vector<128x128xf32>, vector<1024x128xf32> -> vector<1024x128xf32>
    %slice3A_39 = vector.extract_strided_slice %get3A_1 {offsets = [0, 384], sizes = [1024, 128], strides = [1, 1]} : vector<1024x512xf32> to vector<1024x128xf32>
    %dot_general3A_40 = arith.constant dense<0.000000e+00> : vector<1024x128xf32>
    %dot_general3A_41 = tpu.matmul %slice3A_39, %get3A_10, %dot_general3A_40 {dimension_numbers = #tpu.dot_dimension_numbers<[1], [0], [0], [1], [0, 0, 1, 1], [], []>, transpose_lhs_hint = false} : vector<1024x128xf32>, vector<128x128xf32>, vector<1024x128xf32> -> vector<1024x128xf32>
    %stack3A = vector.shape_cast %dot_general3A_20 : vector<1024x128xf32> to vector<1x1024x128xf32>
    %stack3A_42 = vector.shape_cast %dot_general3A_23 : vector<1024x128xf32> to vector<1x1024x128xf32>
    %stack3A_43 = vector.shape_cast %dot_general3A_26 : vector<1024x128xf32> to vector<1x1024x128xf32>
    %stack3A_44 = vector.shape_cast %dot_general3A_29 : vector<1024x128xf32> to vector<1x1024x128xf32>
    %stack3A_45 = vector.shape_cast %dot_general3A_32 : vector<1024x128xf32> to vector<1x1024x128xf32>
    %stack3A_46 = vector.shape_cast %dot_general3A_35 : vector<1024x128xf32> to vector<1x1024x128xf32>
    %stack3A_47 = vector.shape_cast %dot_general3A_38 : vector<1024x128xf32> to vector<1x1024x128xf32>
    %stack3A_48 = vector.shape_cast %dot_general3A_41 : vector<1024x128xf32> to vector<1x1024x128xf32>
    %stack3A_49 = tpu.concatenate %stack3A, %stack3A_42, %stack3A_43, %stack3A_44, %stack3A_45, %stack3A_46, %stack3A_47, %stack3A_48 in 0 : vector<1x1024x128xf32>, vector<1x1024x128xf32>, vector<1x1024x128xf32>, vector<1x1024x128xf32>, vector<1x1024x128xf32>, vector<1x1024x128xf32>, vector<1x1024x128xf32>, vector<1x1024x128xf32> -> vector<8x1024x128xf32>
    %transpose3A = tpu.transpose %stack3A_49, [1, 0, 2] : vector<8x1024x128xf32> -> vector<1024x8x128xf32>
    %reshape3A = vector.shape_cast %transpose3A : vector<1024x8x128xf32> to vector<8192x128xf32>
    %swap3A = arith.constant 0 : index
    %swap3A_50 = arith.constant 0 : index
    %swap3A_51 = vector.load %arg8[%swap3A, %swap3A_50] : memref<8192x128xf32, #tpu.memory_space<vmem>>, vector<8192x128xf32>
    tpu.vector_store %arg8[%swap3A, %swap3A_50], %reshape3A {strides = array<i32>} : memref<8192x128xf32, #tpu.memory_space<vmem>>, vector<8192x128xf32>,
    %slice3A_52 = vector.extract_strided_slice %get3A_4 {offsets = [0, 0], sizes = [1024, 128], strides = [1, 1]} : vector<1024x512xf32> to vector<1024x128xf32>
    %dot_general3A_53 = arith.constant dense<0.000000e+00> : vector<1024x128xf32>
    %dot_general3A_54 = tpu.matmul %slice3A_52, %get3A_13, %dot_general3A_53 {dimension_numbers = #tpu.dot_dimension_numbers<[1], [0], [0], [1], [0, 0, 1, 1], [], []>, transpose_lhs_hint = false} : vector<1024x128xf32>, vector<128x128xf32>, vector<1024x128xf32> -> vector<1024x128xf32>
    %swap3A_55 = arith.constant 0 : index
    %swap3A_56 = arith.constant 0 : index
    %swap3A_57 = vector.load %arg9[%swap3A_55, %swap3A_56] : memref<1024x1536xf32, #tpu.memory_space<vmem>>, vector<1024x128xf32>
    tpu.vector_store %arg9[%swap3A_55, %swap3A_56], %dot_general3A_54 {strides = array<i32>} : memref<1024x1536xf32, #tpu.memory_space<vmem>>, vector<1024x128xf32>,
    %dot_general3A_58 = arith.constant dense<0.000000e+00> : vector<1024x128xf32>
    %dot_general3A_59 = tpu.matmul %slice3A_52, %get3A_16, %dot_general3A_58 {dimension_numbers = #tpu.dot_dimension_numbers<[1], [0], [0], [1], [0, 0, 1, 1], [], []>, transpose_lhs_hint = false} : vector<1024x128xf32>, vector<128x128xf32>, vector<1024x128xf32> -> vector<1024x128xf32>
    %swap3A_60 = arith.constant 0 : index
    %swap3A_61 = arith.constant 128 : index
    %swap3A_62 = vector.load %arg9[%swap3A_60, %swap3A_61] : memref<1024x1536xf32, #tpu.memory_space<vmem>>, vector<1024x128xf32>
    tpu.vector_store %arg9[%swap3A_60, %swap3A_61], %dot_general3A_59 {strides = array<i32>} : memref<1024x1536xf32, #tpu.memory_space<vmem>>, vector<1024x128xf32>,
    %dot_general3A_63 = arith.constant dense<0.000000e+00> : vector<1024x128xf32>
    %dot_general3A_64 = tpu.matmul %slice3A_52, %get3A_19, %dot_general3A_63 {dimension_numbers = #tpu.dot_dimension_numbers<[1], [0], [0], [1], [0, 0, 1, 1], [], []>, transpose_lhs_hint = false} : vector<1024x128xf32>, vector<128x128xf32>, vector<1024x128xf32> -> vector<1024x128xf32>
    %swap3A_65 = arith.constant 0 : index
    %swap3A_66 = arith.constant 256 : index
    %swap3A_67 = vector.load %arg9[%swap3A_65, %swap3A_66] : memref<1024x1536xf32, #tpu.memory_space<vmem>>, vector<1024x128xf32>
    tpu.vector_store %arg9[%swap3A_65, %swap3A_66], %dot_general3A_64 {strides = array<i32>} : memref<1024x1536xf32, #tpu.memory_space<vmem>>, vector<1024x128xf32>,
    %slice3A_68 = vector.extract_strided_slice %get3A_4 {offsets = [0, 128], sizes = [1024, 128], strides = [1, 1]} : vector<1024x512xf32> to vector<1024x128xf32>
    %dot_general3A_69 = arith.constant dense<0.000000e+00> : vector<1024x128xf32>
    %dot_general3A_70 = tpu.matmul %slice3A_68, %get3A_13, %dot_general3A_69 {dimension_numbers = #tpu.dot_dimension_numbers<[1], [0], [0], [1], [0, 0, 1, 1], [], []>, transpose_lhs_hint = false} : vector<1024x128xf32>, vector<128x128xf32>, vector<1024x128xf32> -> vector<1024x128xf32>
    %swap3A_71 = arith.constant 0 : index
    %swap3A_72 = arith.constant 384 : index
    %swap3A_73 = vector.load %arg9[%swap3A_71, %swap3A_72] : memref<1024x1536xf32, #tpu.memory_space<vmem>>, vector<1024x128xf32>
    tpu.vector_store %arg9[%swap3A_71, %swap3A_72], %dot_general3A_70 {strides = array<i32>} : memref<1024x1536xf32, #tpu.memory_space<vmem>>, vector<1024x128xf32>,
    %dot_general3A_74 = arith.constant dense<0.000000e+00> : vector<1024x128xf32>
    %dot_general3A_75 = tpu.matmul %slice3A_68, %get3A_16, %dot_general3A_74 {dimension_numbers = #tpu.dot_dimension_numbers<[1], [0], [0], [1], [0, 0, 1, 1], [], []>, transpose_lhs_hint = false} : vector<1024x128xf32>, vector<128x128xf32>, vector<1024x128xf32> -> vector<1024x128xf32>
    %swap3A_76 = arith.constant 0 : index
    %swap3A_77 = arith.constant 512 : index
    %swap3A_78 = vector.load %arg9[%swap3A_76, %swap3A_77] : memref<1024x1536xf32, #tpu.memory_space<vmem>>, vector<1024x128xf32>
    tpu.vector_store %arg9[%swap3A_76, %swap3A_77], %dot_general3A_75 {strides = array<i32>} : memref<1024x1536xf32, #tpu.memory_space<vmem>>, vector<1024x128xf32>,
    %dot_general3A_79 = arith.constant dense<0.000000e+00> : vector<1024x128xf32>
    %dot_general3A_80 = tpu.matmul %slice3A_68, %get3A_19, %dot_general3A_79 {dimension_numbers = #tpu.dot_dimension_numbers<[1], [0], [0], [1], [0, 0, 1, 1], [], []>, transpose_lhs_hint = false} : vector<1024x128xf32>, vector<128x128xf32>, vector<1024x128xf32> -> vector<1024x128xf32>
    %swap3A_81 = arith.constant 0 : index
    %swap3A_82 = arith.constant 640 : index
    %swap3A_83 = vector.load %arg9[%swap3A_81, %swap3A_82] : memref<1024x1536xf32, #tpu.memory_space<vmem>>, vector<1024x128xf32>
    tpu.vector_store %arg9[%swap3A_81, %swap3A_82], %dot_general3A_80 {strides = array<i32>} : memref<1024x1536xf32, #tpu.memory_space<vmem>>, vector<1024x128xf32>,
    %slice3A_84 = vector.extract_strided_slice %get3A_4 {offsets = [0, 256], sizes = [1024, 128], strides = [1, 1]} : vector<1024x512xf32> to vector<1024x128xf32>
    %dot_general3A_85 = arith.constant dense<0.000000e+00> : vector<1024x128xf32>
    %dot_general3A_86 = tpu.matmul %slice3A_84, %get3A_13, %dot_general3A_85 {dimension_numbers = #tpu.dot_dimension_numbers<[1], [0], [0], [1], [0, 0, 1, 1], [], []>, transpose_lhs_hint = false} : vector<1024x128xf32>, vector<128x128xf32>, vector<1024x128xf32> -> vector<1024x128xf32>
    %swap3A_87 = arith.constant 0 : index
    %swap3A_88 = arith.constant 768 : index
    %swap3A_89 = vector.load %arg9[%swap3A_87, %swap3A_88] : memref<1024x1536xf32, #tpu.memory_space<vmem>>, vector<1024x128xf32>
    tpu.vector_store %arg9[%swap3A_87, %swap3A_88], %dot_general3A_86 {strides = array<i32>} : memref<1024x1536xf32, #tpu.memory_space<vmem>>, vector<1024x128xf32>,
    %dot_general3A_90 = arith.constant dense<0.000000e+00> : vector<1024x128xf32>
    %dot_general3A_91 = tpu.matmul %slice3A_84, %get3A_16, %dot_general3A_90 {dimension_numbers = #tpu.dot_dimension_numbers<[1], [0], [0], [1], [0, 0, 1, 1], [], []>, transpose_lhs_hint = false} : vector<1024x128xf32>, vector<128x128xf32>, vector<1024x128xf32> -> vector<1024x128xf32>
    %swap3A_92 = arith.constant 0 : index
    %swap3A_93 = arith.constant 896 : index
    %swap3A_94 = vector.load %arg9[%swap3A_92, %swap3A_93] : memref<1024x1536xf32, #tpu.memory_space<vmem>>, vector<1024x128xf32>
    tpu.vector_store %arg9[%swap3A_92, %swap3A_93], %dot_general3A_91 {strides = array<i32>} : memref<1024x1536xf32, #tpu.memory_space<vmem>>, vector<1024x128xf32>,
    %dot_general3A_95 = arith.constant dense<0.000000e+00> : vector<1024x128xf32>
    %dot_general3A_96 = tpu.matmul %slice3A_84, %get3A_19, %dot_general3A_95 {dimension_numbers = #tpu.dot_dimension_numbers<[1], [0], [0], [1], [0, 0, 1, 1], [], []>, transpose_lhs_hint = false} : vector<1024x128xf32>, vector<128x128xf32>, vector<1024x128xf32> -> vector<1024x128xf32>
    %swap3A_97 = arith.constant 0 : index
    %swap3A_98 = arith.constant 1024 : index
    %swap3A_99 = vector.load %arg9[%swap3A_97, %swap3A_98] : memref<1024x1536xf32, #tpu.memory_space<vmem>>, vector<1024x128xf32>
    tpu.vector_store %arg9[%swap3A_97, %swap3A_98], %dot_general3A_96 {strides = array<i32>} : memref<1024x1536xf32, #tpu.memory_space<vmem>>, vector<1024x128xf32>,
    %slice3A_100 = vector.extract_strided_slice %get3A_4 {offsets = [0, 384], sizes = [1024, 128], strides = [1, 1]} : vector<1024x512xf32> to vector<1024x128xf32>
    %dot_general3A_101 = arith.constant dense<0.000000e+00> : vector<1024x128xf32>
    %dot_general3A_102 = tpu.matmul %slice3A_100, %get3A_13, %dot_general3A_101 {dimension_numbers = #tpu.dot_dimension_numbers<[1], [0], [0], [1], [0, 0, 1, 1], [], []>, transpose_lhs_hint = false} : vector<1024x128xf32>, vector<128x128xf32>, vector<1024x128xf32> -> vector<1024x128xf32>
    %swap3A_103 = arith.constant 0 : index
    %swap3A_104 = arith.constant 1152 : index
    %swap3A_105 = vector.load %arg9[%swap3A_103, %swap3A_104] : memref<1024x1536xf32, #tpu.memory_space<vmem>>, vector<1024x128xf32>
    tpu.vector_store %arg9[%swap3A_103, %swap3A_104], %dot_general3A_102 {strides = array<i32>} : memref<1024x1536xf32, #tpu.memory_space<vmem>>, vector<1024x128xf32>,
    %dot_general3A_106 = arith.constant dense<0.000000e+00> : vector<1024x128xf32>
    %dot_general3A_107 = tpu.matmul %slice3A_100, %get3A_16, %dot_general3A_106 {dimension_numbers = #tpu.dot_dimension_numbers<[1], [0], [0], [1], [0, 0, 1, 1], [], []>, transpose_lhs_hint = false} : vector<1024x128xf32>, vector<128x128xf32>, vector<1024x128xf32> -> vector<1024x128xf32>
    %swap3A_108 = arith.constant 0 : index
    %swap3A_109 = arith.constant 1280 : index
    %swap3A_110 = vector.load %arg9[%swap3A_108, %swap3A_109] : memref<1024x1536xf32, #tpu.memory_space<vmem>>, vector<1024x128xf32>
    tpu.vector_store %arg9[%swap3A_108, %swap3A_109], %dot_general3A_107 {strides = array<i32>} : memref<1024x1536xf32, #tpu.memory_space<vmem>>, vector<1024x128xf32>,
    %dot_general3A_111 = arith.constant dense<0.000000e+00> : vector<1024x128xf32>
    %dot_general3A_112 = tpu.matmul %slice3A_100, %get3A_19, %dot_general3A_111 {dimension_numbers = #tpu.dot_dimension_numbers<[1], [0], [0], [1], [0, 0, 1, 1], [], []>, transpose_lhs_hint = false} : vector<1024x128xf32>, vector<128x128xf32>, vector<1024x128xf32> -> vector<1024x128xf32>
    %swap3A_113 = arith.constant 0 : index
    %swap3A_114 = arith.constant 1408 : index
    %swap3A_115 = vector.load %arg9[%swap3A_113, %swap3A_114] : memref<1024x1536xf32, #tpu.memory_space<vmem>>, vector<1024x128xf32>
    tpu.vector_store %arg9[%swap3A_113, %swap3A_114], %dot_general3A_112 {strides = array<i32>} : memref<1024x1536xf32, #tpu.memory_space<vmem>>, vector<1024x128xf32>,
    return
  }
  func.func @transform_0(%arg0: i32) -> (i32, i32) {
    %c0_i32 = arith.constant 0 : i32
    %c0_i32_0 = arith.constant 0 : i32
    return %arg0, %c0_i32 : i32, i32
  }
  func.func @transform_1(%arg0: i32) -> (i32, i32) {
    %c0_i32 = arith.constant 0 : i32
    %c0_i32_0 = arith.constant 0 : i32
    return %arg0, %c0_i32 : i32, i32
  }
  func.func @transform_2(%arg0: i32) -> (i32, i32) {
    %c0_i32 = arith.constant 0 : i32
    %c0_i32_0 = arith.constant 0 : i32
    %c0_i32_1 = arith.constant 0 : i32
    return %c0_i32, %c0_i32_0 : i32, i32
  }
  func.func @transform_3(%arg0: i32) -> (i32, i32) {
    %c0_i32 = arith.constant 0 : i32
    %c0_i32_0 = arith.constant 0 : i32
    %c0_i32_1 = arith.constant 0 : i32
    return %c0_i32, %c0_i32_0 : i32, i32
  }
  func.func @transform_4(%arg0: i32) -> (i32, i32) {
    %c0_i32 = arith.constant 0 : i32
    %c0_i32_0 = arith.constant 0 : i32
    %c0_i32_1 = arith.constant 0 : i32
    return %c0_i32, %c0_i32_0 : i32, i32
  }
  func.func @transform_5(%arg0: i32) -> (i32, i32) {
    %c0_i32 = arith.constant 0 : i32
    %c0_i32_0 = arith.constant 0 : i32
    %c0_i32_1 = arith.constant 0 : i32
    return %c0_i32, %c0_i32_0 : i32, i32
  }
  func.func @transform_6(%arg0: i32) -> (i32, i32) {
    %c0_i32 = arith.constant 0 : i32
    %c0_i32_0 = arith.constant 0 : i32
    %c0_i32_1 = arith.constant 0 : i32
    return %c0_i32, %c0_i32_0 : i32, i32
  }
  func.func @transform_7(%arg0: i32) -> (i32, i32) {
    %c0_i32 = arith.constant 0 : i32
    %c0_i32_0 = arith.constant 0 : i32
    return %arg0, %c0_i32 : i32, i32
  }
  func.func @transform_8(%arg0: i32) -> (i32, i32) {
    %c0_i32 = arith.constant 0 : i32
    %c0_i32_0 = arith.constant 0 : i32
    return %arg0, %c0_i32 : i32, i32
  }
}

</mosaic_0001>

<sc_bundles>
// kernel: kernel.4.cloned.1.call-start
scs
__scs_entry_jumppad:
0x0: {  	(pc) =	sbr.rel $0x88, $3  }
0x1: {  	(tag) =	ssettag $0x0;
	lr =	simm.s32 $0x1  }
0x2: {  	[smem:$0x3F9E] =	sst lr;
	_ =	strace $0xD0000000  }
0x3: {  	_ = 	snop  }
0x4: {  	_ = 	snop  }
0x5: {  	_ = 	snop  }
0x6: {  	_ = 	snop  }
0x7: {  	_ = 	snop  }
__scs_overlays_trampoline_lowered:
0x8: {  	[smem:$0x3FAD] =	sst s0  }
0x9: {  	[smem:$0x3FAE] =	sst s1  }
0xa: {  	[smem:$0x3FAF] =	sst s2  }
0xb: {  	[smem:$0x3FB0] =	sst s3  }
0xc: {  	[smem:$0x3FB1] =	sst s4  }
0xd: {  	[smem:$0x3FB2] =	sst s5  }
0xe: {  	[smem:$0x3FB3] =	sst s6  }
0xf: {  	[smem:$0x3FB4] =	sst s7  }
0x10: {  	[smem:$0x3FB5] =	sst s8  }
0x11: {  	[smem:$0x3FB6] =	sst s9;
	s0 =	simm.s32 @!p0 $0x0  }
0x12: {  	s1 =	sld [smem:$0x3F9C];
	s0 =	simm.s32 @p0 $0x1  }
0x13: {  	[smem:$0x3FB7] =	sst s0;
	s0 =	simm.s32 @!p1 $0x0  }
0x14: {  	s2 =	sld [smem:$0x3F9B];
	s0 =	simm.s32 @p1 $0x1  }
0x15: {  	[smem:$0x3FB8] =	sst s0;
	s0 =	simm.s32 @!p2 $0x0  }
0x16: {  	s3 =	sld [smem:$0x3FDB];
	s0 =	simm.s32 @p2 $0x1  }
0x17: {  	s4 =	simm.s32 $0x1BF5;
	[smem:$0x3FBA] =	sst s0  }
0x18: {  	s0 =	sld [smem:$0x3F9D];
	_ =	swait.ge [sflag:s4], $0x0  }
0x19: {  	s7 =	sld [smem:$0x3F9E]  }
0x1a: {  	s8 =	sadd.s32 $0xFFFFE003, lr  }
0x1b: {  	s9 =	sadd.s32 $0xFFFFFEF7, lr;
	s5 =	simm.s32 $0xFFFFFFFF;
	p2 =	slt.u32 s8, $0xFFFFF086  }
0x1c: {  	p1 =	slt.u32 s9, $0xF7A;
	s5 =	simm.s32 @!p2 $0x0  }
0x1d: {  	s5 =	simm.s32 @p1 $0x1;
	p0 =	seq.s32 s7, s2  }
0x1e: {  	s7 =	smul.u32 @!p0 $0xF7A, s2;
	p2 =	seq.s32 @!p0 s5, $0x0  }
0x1f: {  	s9 =	smul.u32 $0xF7A, s1;
	s8 =	simm.s32 @!p0 $0x1BF5;
	p2 =	por !p2, p0  }
0x20: {  	[sflag:s8] =	ssyncset.s32 @!p0 $0xFFFFF086;
	s6 =	sadd.s32 @!p0 s3, s7;
	s7 =	simm.s32 @!p0 $0x108  }
0x21: {  	s3 =	sadd.s32 s3, s9;
	s6 =	sadd.s32 @!p0 $0x88, s6;
	s7 =	simm.s32 @p2 $0x1082  }
0x22: {  	[simem:s7], [sflag:s8] =	dma.local @!p0 [hbm:s6], $0xF7A  }
0x23: {  	s9 =	sor.u32 $0xD0000000, s2;
	s6 =	simm.s32 $0x108;
	_ =	swait.ge @!p0 [sflag:s8], $0x0  }
0x24: {  	s3 =	sadd.s32 $0x88, s3;
	s6 =	simm.s32 @!p1 $0x1082;
	[sflag:s4] =	ssyncset.s32 $0xFFFFF086  }
0x25: {  	[simem:s6], [sflag:s4] =	dma.local [hbm:s3], $0xF7A  }
0x26: {  	[smem:$0x3F9E] =	sst s1;
	(tag) =	ssettag s2;
	_ =	strace s9  }
0x27: {  	s1 =	sld [smem:$0x3FAE]  }
0x28: {  	s2 =	sld [smem:$0x3FAF]  }
0x29: {  	s4 =	sld [smem:$0x3FB1]  }
0x2a: {  	p0 =	seq.s32 s5, $0x0;
	s5 =	sld [smem:$0x3FB2]  }
0x2b: {  	s6 =	sld [smem:$0x3FB3]  }
0x2c: {  	s7 =	sld [smem:$0x3FB4]  }
0x2d: {  	s3 =	simm.s32 $0x108;
	s8 =	sld [smem:$0x3FB5]  }
0x2e: {  	s3 =	simm.s32 @!p0 $0x1082;
	s9 =	sld [smem:$0x3FB6]  }
0x2f: {  	lr =	sadd.s32 s0, s3;
	s0 =	sld [smem:$0x3FAD]  }
0x30: {  	s3 =	sld [smem:$0x3FB0]  }
0x31: {  	[smem:$0x3FB9] =	sst s10  }
0x32: {  	s10 =	sld [smem:$0x3FB7];
	_ =	sdelay $0x3  }
0x33: {  	p0 =	seq.s32 s10, $0x1;
	s10 =	sld [smem:$0x3FB9];
	_ =	sdelay $0x3  }
0x34: {  	[smem:$0x3FB9] =	sst s10  }
0x35: {  	s10 =	sld [smem:$0x3FB8];
	_ =	sdelay $0x3  }
0x36: {  	p1 =	seq.s32 s10, $0x1;
	s10 =	sld [smem:$0x3FB9];
	_ =	sdelay $0x3  }
0x37: {  	[smem:$0x3FB9] =	sst s10  }
0x38: {  	s10 =	sld [smem:$0x3FBA]  }
0x39: {  	_ = 	snop;
	(pc) =	sbr.ind lr, $3  }
0x3a: {  	_ = 	snop  }
0x3b: {  	_ = 	snop  }
0x3c: {  	p2 =	seq.s32 s10, $0x1;
	s10 =	sld [smem:$0x3FB9]  }
0x3d: {  	_ =	shalt  }
0x3e: {  	_ =	shalt  }
0x3f: {  	_ =	shalt  }
0x40: {  	_ =	shalt  }
0x41: {  	_ =	shalt  }
0x42: {  	_ =	shalt  }
0x43: {  	_ =	shalt  }
0x44: {  	_ =	shalt  }
0x45: {  	_ =	shalt  }
0x46: {  	_ =	shalt  }
0x47: {  	_ =	shalt  }
0x48: {  	_ =	shalt  }
0x49: {  	_ =	shalt  }
0x4a: {  	_ =	shalt  }
0x4b: {  	_ =	shalt  }
0x4c: {  	_ =	shalt  }
0x4d: {  	_ =	shalt  }
0x4e: {  	_ =	shalt  }
0x4f: {  	_ =	shalt  }
0x50: {  	_ =	shalt  }
0x51: {  	_ =	shalt  }
0x52: {  	_ =	shalt  }
0x53: {  	_ =	shalt  }
0x54: {  	_ =	shalt  }
0x55: {  	_ =	shalt  }
0x56: {  	_ =	shalt  }
0x57: {  	_ =	shalt  }
0x58: {  	_ =	shalt  }
0x59: {  	_ =	shalt  }
0x5a: {  	_ =	shalt  }
0x5b: {  	_ =	shalt  }
0x5c: {  	_ =	shalt  }
0x5d: {  	_ =	shalt  }
0x5e: {  	_ =	shalt  }
0x5f: {  	_ =	shalt  }
0x60: {  	_ =	shalt  }
0x61: {  	_ =	shalt  }
0x62: {  	_ =	shalt  }
0x63: {  	_ =	shalt  }
0x64: {  	_ =	shalt  }
0x65: {  	_ =	shalt  }
0x66: {  	_ =	shalt  }
0x67: {  	_ =	shalt  }
0x68: {  	_ =	shalt  }
0x69: {  	_ =	shalt  }
0x6a: {  	_ =	shalt  }
0x6b: {  	_ =	shalt  }
0x6c: {  	_ =	shalt  }
0x6d: {  	_ =	shalt  }
0x6e: {  	_ =	shalt  }
0x6f: {  	_ =	shalt  }
0x70: {  	_ =	shalt  }
0x71: {  	_ =	shalt  }
0x72: {  	_ =	shalt  }
0x73: {  	_ =	shalt  }
0x74: {  	_ =	shalt  }
0x75: {  	_ =	shalt  }
0x76: {  	_ =	shalt  }
0x77: {  	_ =	shalt  }
0x78: {  	_ =	shalt  }
0x79: {  	_ =	shalt  }
0x7a: {  	_ =	shalt  }
0x7b: {  	_ =	shalt  }
0x7c: {  	_ =	shalt  }
0x7d: {  	_ =	shalt  }
0x7e: {  	_ =	shalt  }
0x7f: {  	_ =	shalt  }
0x80: {  	_ =	shalt  }
0x81: {  	_ =	shalt  }
0x82: {  	_ =	shalt  }
0x83: {  	_ =	shalt  }
0x84: {  	_ =	shalt  }
0x85: {  	_ =	shalt  }
0x86: {  	_ =	shalt  }
0x87: {  	_ =	shalt  }
.Lfunc_end0:
.L_simem_size_0:
called_computation_lowered:
.L_overlay_start_0:
0x88: {  	s0 =	sld [smem:$0x3FD9]  }
0x89: {  	s1 =	sld [smem:$0x3FFE];
	_ =	sdelay $0x3  }
0x8a: {  	s0 =	sadd.s32 s1, s0  }
0x8b: {  	[smem:$0x3FC5] =	sst s0  }
0x8c: {  	_ = 	snop  }
0x8d: {  	s0 =	sld [smem:$0x3FD0];
	_ =	sdelay $0x2  }
0x8e: {  	s2 =	simm.s32 $0xB;
	s3 =	simm.s32 $0x10;
	s15 =	sld [smem:$0x3FC7]  }
0x8f: {  	[smem:s3], [sflag:s2] =	dma.local [hbm:s0], $0x1  }
0x90: {  	_ =	swait.eq [sflag:s2], $0x1  }
0x91: {  	[sflag:s2] =	ssyncset.done $0x0  }
0x92: {  	s17 =	simm.s32 $0x0;
	s16 =	sld [smem:$0x12];
	[sflag:s2] =	ssyncadd.s32 $0xFFFFFFFF  }
0x93: {  	[smem:$0xF] =	sst s17  }
0x94: {  	(tm) =	ssettm $0x1  }
0x95: {  	s18 =	sld [smem:$0x3FFB];
	_ =	sdelay $0x3  }
0x96: {  	_ =	strace s18  }
0x97: {  	s2 =	sld [smem:$0x3FFC];
	_ =	sdelay $0x3  }
0x98: {  	_ =	strace s2  }
0x99: {  	s2 =	sld [smem:$0x3FFD];
	_ =	sdelay $0x3  }
0x9a: {  	_ =	strace s2  }
0x9b: {  	s19 =	simm.s32 $0x1B8B;
	_ =	strace $0x8FFFFFFF  }
0x9c: {  	_ =	swait.ge [sflag:s19], $0x1  }
0x9d: {  	[sflag:s19] =	ssyncset.done $0x0  }
0x9e: {  	s20 =	simm.s32 $0x1B8E;
	[sflag:s19] =	ssyncadd.s32 $0xFFFFFFFF  }
0x9f: {  	s21 =	simm.s32 $0x1;
	s22 =	simm.s32 $0x80;
	[smem:$0x3FD2] =	sst s20  }
0xa0: {  	s4 =	simm.s32 $0x40;
	s5 =	simm.s32 $0xA;
	_ =	strace $0x80000046  }
0xa1: {  	[hbm:s16@s22], [sflag:s5] =	dma.strided [hbm:s15@s4], $0x40, s21, $0x10   }
0xa2: {  	_ =	swait.ge [sflag:s5], $0x40  }
0xa3: {  	[sflag:s5] =	ssyncset.done $0x0  }
0xa4: {  	[sflag:s5] =	ssyncadd.s32 $0xFFFFFFC0  }
0xa5: {  	s6 =	sadd.s32 $0x10, s16  }
0xa6: {  	[hbm:s6@s22], [sflag:s5] =	dma.strided [hbm:s15@s4], $0x40, s21, $0x10   }
0xa7: {  	_ =	swait.ge [sflag:s5], $0x40  }
0xa8: {  	[sflag:s5] =	ssyncset.done $0x0  }
0xa9: {  	[sflag:s5] =	ssyncadd.s32 $0xFFFFFFC0  }
0xaa: {  	s23 =	sadd.s32 $0x10, s15;
	s7 =	sadd.s32 $0x20, s16  }
0xab: {  	[hbm:s7@s22], [sflag:s5] =	dma.strided [hbm:s23@s4], $0x40, s21, $0x10   }
0xac: {  	_ =	swait.ge [sflag:s5], $0x40  }
0xad: {  	[sflag:s5] =	ssyncset.done $0x0  }
0xae: {  	[sflag:s5] =	ssyncadd.s32 $0xFFFFFFC0  }
0xaf: {  	s1 =	sadd.s32 $0x20, s15;
	s24 =	sadd.s32 $0x30, s16  }
0xb0: {  	[hbm:s24@s22], [sflag:s5] =	dma.strided [hbm:s1@s4], $0x40, s21, $0x10   }
0xb1: {  	_ =	swait.ge [sflag:s5], $0x40  }
0xb2: {  	[sflag:s5] =	ssyncset.done $0x0  }
0xb3: {  	[sflag:s5] =	ssyncadd.s32 $0xFFFFFFC0  }
0xb4: {  	s25 =	sadd.s32 $0x40, s16  }
0xb5: {  	[hbm:s25@s22], [sflag:s5] =	dma.strided [hbm:s1@s4], $0x40, s21, $0x10   }
0xb6: {  	_ =	swait.ge [sflag:s5], $0x40  }
0xb7: {  	[sflag:s5] =	ssyncset.done $0x0  }
0xb8: {  	[sflag:s5] =	ssyncadd.s32 $0xFFFFFFC0  }
0xb9: {  	s26 =	simm.s32 $0x9;
	s0 =	sadd.s32 $0x50, s16  }
0xba: {  	[hbm:s0@s22], [sflag:s26] =	dma.strided [hbm:s1@s4], $0x40, s21, $0x10   }
0xbb: {  	_ =	swait.ge [sflag:s26], $0x40  }
0xbc: {  	[sflag:s26] =	ssyncset.done $0x0  }
0xbd: {  	[sflag:s26] =	ssyncadd.s32 $0xFFFFFFC0  }
0xbe: {  	_ =	strace $0x90000046  }
0xbf: {  	_ =	sfence  }
0xc0: {  	s28 =	sld [smem:$0x0];
	_ =	sdelay $0x1  }
0xc1: {  	s29 =	srdreg.scid  }
0xc2: {  	s30 =	sshll.u32 s29, $0xD;
	s31 =	sshrl.u32 s29, $0x2  }
0xc3: {  	s2 =	sand.u32 $0x4000, s30;
	s1 =	sand.u32 $0x1, s29;
	s0 =	sadd.s32 s31, s28  }
0xc4: {  	s1 =	sor.u32 s2, s1;
	s0 =	sshll.u32 s0, $0x11  }
0xc5: {  	s0 =	sor.u32 s0, s1  }
0xc6: {  	s0 =	sadd.s32 $0x8F2B, s0;
	(pc) =	sbr.abs _section_cstart, $3  }
0xc7: {  	[sflag:s0] =	ssyncadd.remote.s32 $0x1  }
0xc8: {  	_ =	strace $0x9FFFFFFF  }
0xc9: {  	(tm) =	ssettm $0x7FFFFFFF  }

</sc_bundles>
